<compile_context>
chip_gen: v7x
topology: tpu7x:2x2x1
jax: 0.10.2.dev20260603
libtpu: 0.0.44.dev20260713+nightly
codegen_flags: <defaults>
</compile_context>

<pallas_src>
import functools

import jax
import jax.numpy as jnp
from jax import lax
from jax.experimental import pallas as pl
from jax.experimental.pallas import tpu as pltpu
from jax.experimental.pallas import tpu_sc as plsc

NC = 2
NS = 16
NW = NC * NS
CHUNK = 128
R = 5
LAG = 3


def _make_gather_pipelined(n_pad, d, chunk, r, lag):
    n_w = n_pad // NW
    n_chunks = n_w // chunk
    n_groups = n_chunks // r
    mesh = plsc.VectorSubcoreMesh(core_axis_name="c", subcore_axis_name="s")

    @functools.partial(
        pl.kernel,
        mesh=mesh,
        out_type=jax.ShapeDtypeStruct((n_pad, d), jnp.float32),
        scratch_types=[
            pltpu.VMEM((n_w,), jnp.int32),
            *[pltpu.VMEM((chunk, d), jnp.float32) for _ in range(r)],
            *[pltpu.SemaphoreType.DMA for _ in range(2 * r)],
        ],
    )
    def gather_kernel(table_hbm, idx_hbm, out_hbm, idx_v, *rest):
        rows = rest[:r]
        sg = rest[r:2 * r]
        ss = rest[2 * r:3 * r]
        wid = lax.axis_index("s") * NC + lax.axis_index("c")
        chunk0 = wid * n_chunks

        pltpu.sync_copy(idx_hbm.at[pl.ds(wid * n_w, n_w)], idx_v)

        def fire_gather(i, b):
            src = table_hbm.at[idx_v.at[pl.ds(i * chunk, chunk)]]
            pltpu.async_copy(src, rows[b], sg[b])

        def wait_gather(b):
            src = table_hbm.at[idx_v.at[pl.ds(0, chunk)]]
            pltpu.make_async_copy(src, rows[b], sg[b]).wait()

        def fire_store(i, b):
            dst = out_hbm.at[pl.ds((i * NW + wid) * chunk, chunk)]
            pltpu.async_copy(rows[b], dst, ss[b])

        def wait_store(b):
            dst = out_hbm.at[pl.ds(0, chunk)]
            pltpu.make_async_copy(rows[b], dst, ss[b]).wait()

        for i in range(r):
            fire_gather(i, i)
            if i >= lag:
                wait_gather(i - lag)
                fire_store(i - lag, i - lag)

        def body(g, carry):
            for b in range(r):
                i = g * r + b
                wait_store(b)
                fire_gather(i, b)
                bl = (b + r - lag) % r
                wait_gather(bl)
                fire_store(i - lag, bl)
            return carry

        lax.fori_loop(1, n_groups, body, 0)

        for i in range(n_chunks - lag, n_chunks):
            b = i % r
            wait_gather(b)
            fire_store(i, b)
        for b in range(r):
            wait_store(b)

    return gather_kernel


def _make_gather_simple(n_pad, d, chunk):
    n_w = n_pad // NW
    n_chunks = n_w // chunk
    mesh = plsc.VectorSubcoreMesh(core_axis_name="c", subcore_axis_name="s")

    @functools.partial(
        pl.kernel,
        mesh=mesh,
        out_type=jax.ShapeDtypeStruct((n_pad, d), jnp.float32),
        scratch_types=[
            pltpu.VMEM((chunk,), jnp.int32),
            pltpu.VMEM((chunk, d), jnp.float32),
            pltpu.SemaphoreType.DMA,
        ],
    )
    def gather_kernel(table_hbm, idx_hbm, out_hbm, idx_v, rows_v, sem):
        wid = lax.axis_index("s") * NC + lax.axis_index("c")
        w_base = wid * n_w

        def body(i, carry):
            base = w_base + i * chunk
            pltpu.sync_copy(idx_hbm.at[pl.ds(base, chunk)], idx_v)
            pltpu.async_copy(table_hbm.at[idx_v], rows_v, sem).wait()
            pltpu.sync_copy(rows_v, out_hbm.at[pl.ds(base, chunk)])
            return carry

        lax.fori_loop(0, n_chunks, body, 0)

    return gather_kernel


def kernel(indices, W):
    b, l = indices.shape
    _, d = W.shape
    n = b * l
    idx_flat = indices.reshape(n).astype(jnp.int32)
    grain = NW * CHUNK * R
    n_pad = ((n + grain - 1) // grain) * grain
    if n_pad != n:
        idx_flat = jnp.pad(idx_flat, (0, n_pad - n))
    n_chunks_w = n_pad // NW // CHUNK
    if n_chunks_w // R >= 2 and (n_chunks_w + R * d) * CHUNK * 4 <= 500_000:
        idx_perm = (idx_flat.reshape(n_chunks_w, NW, CHUNK)
                    .transpose(1, 0, 2).reshape(n_pad))
        out = _make_gather_pipelined(n_pad, d, CHUNK, R, LAG)(W, idx_perm)
    else:
        out = _make_gather_simple(n_pad, d, 128)(W, idx_flat)
    if n_pad != n:
        out = out[:n]
    return out.reshape(b, l, d)

# --- scband reference (transcript-rebuilt; emitter-appended) ---
"""Pipeline reference for scband-base-model-69578470195463 (READ-ONLY COPY).

The authoritative reference and input builder live on the scoring server;
editing this copy changes nothing except your own understanding.
"""

import jax, jax.numpy as jnp
import numpy as np

VOCAB = 100000
EMBED = 128
B = 4096
L = 200

def _xavier_uniform(key, shape, dtype=jnp.float32):
    fan_in, fan_out = shape[1], shape[0]
    a = float(np.sqrt(6.0 / (fan_in + fan_out)))
    return jax.random.uniform(key, shape, dtype=dtype, minval=-a, maxval=a)

def setup_inputs(seed: int = 0) -> dict:
    key = jax.random.key(seed)
    k_idx, k_w = jax.random.split(key)
    indices = jax.random.randint(k_idx, (B, L), 0, VOCAB, dtype=jnp.int64 if jax.config.jax_enable_x64 else jnp.int32)
    W = _xavier_uniform(k_w, (VOCAB, EMBED))
    return {"indices": indices, "W": W}

def reference(indices, W):
    # Faithful embedding lookup as in nn.Embedding(vocab_size, embed_size, padding_idx=0)
    # (dropout is in eval/identity mode for the reference forward)
    out = jnp.take(W, indices, axis=0)
    return out

if __name__ == "__main__":
    import jax
    _d = setup_inputs()
    print(jax.jit(kernel)(*tuple(_d.values())))

</pallas_src>

<mosaic_0001>
#map = affine_map<(d0, d1) -> (0, 0)>
#map1 = affine_map<(d0, d1) -> (0)>
module attributes {stable_mosaic.version = 14 : i64} {
  func.func @gather_kernel(%arg0: i32, %arg1: i32, %arg2: memref<100000x128xf32, #tpu.memory_space<hbm>>, %arg3: memref<819200xi32, #tpu.memory_space<hbm>>, %arg4: memref<819200x128xf32, #tpu.memory_space<hbm>>, %arg5: memref<25600xi32, #tpu.memory_space<vmem>>, %arg6: memref<128x128xf32, #tpu.memory_space<vmem>>, %arg7: memref<128x128xf32, #tpu.memory_space<vmem>>, %arg8: memref<128x128xf32, #tpu.memory_space<vmem>>, %arg9: memref<128x128xf32, #tpu.memory_space<vmem>>, %arg10: memref<128x128xf32, #tpu.memory_space<vmem>>, %arg11: memref<!tpu.dma_semaphore, #tpu.memory_space<semaphore_mem>>, %arg12: memref<!tpu.dma_semaphore, #tpu.memory_space<semaphore_mem>>, %arg13: memref<!tpu.dma_semaphore, #tpu.memory_space<semaphore_mem>>, %arg14: memref<!tpu.dma_semaphore, #tpu.memory_space<semaphore_mem>>, %arg15: memref<!tpu.dma_semaphore, #tpu.memory_space<semaphore_mem>>, %arg16: memref<!tpu.dma_semaphore, #tpu.memory_space<semaphore_mem>>, %arg17: memref<!tpu.dma_semaphore, #tpu.memory_space<semaphore_mem>>, %arg18: memref<!tpu.dma_semaphore, #tpu.memory_space<semaphore_mem>>, %arg19: memref<!tpu.dma_semaphore, #tpu.memory_space<semaphore_mem>>, %arg20: memref<!tpu.dma_semaphore, #tpu.memory_space<semaphore_mem>>) attributes {dimension_semantics = [#tpu.dimension_semantics<core_parallel>, #tpu.dimension_semantics<subcore_parallel>], iteration_bounds = array<i64: 2, 16>, scalar_prefetch = 0 : i64, scratch_operands = 16 : i64, tpu.core_type = #tpu.core_type<sc_vector_subcore>, window_params = [{transform_indices = #map}, {transform_indices = #map1}, {transform_indices = #map}]} {
    %mul3A = arith.constant 2 : i32
    %mul3A_0 = arith.muli %arg1, %mul3A : i32
    %add3A = arith.addi %mul3A_0, %arg0 : i32
    %mul3A_1 = arith.constant 200 : i32
    %mul3A_2 = arith.muli %add3A, %mul3A_1 : i32
    %mul3A_3 = arith.constant 25600 : i32
    %mul3A_4 = arith.muli %add3A, %mul3A_3 : i32
    "tpu.region"() ({
      %run_scoped3A = tpu.sem_alloc : memref<!tpu.dma_semaphore, #tpu.memory_space<semaphore_mem>>
      %dma_start3A_128 = tpu.memref_slice %arg3[%mul3A_4] : memref<819200xi32, #tpu.memory_space<hbm>> -> memref<25600xi32, #tpu.memory_space<hbm>>
      %dma_start3A_129 = tpu.memref_slice %arg3[%mul3A_4] : memref<819200xi32, #tpu.memory_space<hbm>> -> memref<25600xi32, #tpu.memory_space<hbm>>
      tpu.enqueue_dma source(%dma_start3A_129 : memref<25600xi32, #tpu.memory_space<hbm>>) target(%arg5 : memref<25600xi32, #tpu.memory_space<vmem>>) target_semaphore(%run_scoped3A : memref<!tpu.dma_semaphore, #tpu.memory_space<semaphore_mem>>)
      %dma_wait3A_130 = tpu.memref_slice %arg3[%mul3A_4] : memref<819200xi32, #tpu.memory_space<hbm>> -> memref<25600xi32, #tpu.memory_space<hbm>>
      %dma_wait3A_131 = tpu.memref_slice %arg3[%mul3A_4] : memref<819200xi32, #tpu.memory_space<hbm>> -> memref<25600xi32, #tpu.memory_space<hbm>>
      tpu.wait_dma2 semaphore(%run_scoped3A : memref<!tpu.dma_semaphore, #tpu.memory_space<semaphore_mem>>) src(%dma_wait3A_131 : memref<25600xi32, #tpu.memory_space<hbm>>) dst(%arg5 : memref<25600xi32, #tpu.memory_space<vmem>>)
      tpu.yield
    }) : () -> ()
    %dma_start3A = arith.constant 0 : i32
    %dma_start3A_5 = tpu.memref_slice %arg5[%dma_start3A] : memref<25600xi32, #tpu.memory_space<vmem>> -> memref<128xi32, #tpu.memory_space<vmem>>
    %dma_start3A_6 = arith.constant 0 : i32
    %dma_start3A_7 = arith.constant 0 : i32
    %dma_start3A_8 = tpu.memref_slice %arg2[%dma_start3A_6, %dma_start3A_7] : memref<100000x128xf32, #tpu.memory_space<hbm>> -> memref<100000x128xf32, #tpu.memory_space<hbm>>
    tpu.enqueue_indirect_dma source(%dma_start3A_8 : memref<100000x128xf32, #tpu.memory_space<hbm>>) target(%arg6 : memref<128x128xf32, #tpu.memory_space<vmem>>) offsets(%dma_start3A_5 : memref<128xi32, #tpu.memory_space<vmem>>) semaphore(%arg11 : memref<!tpu.dma_semaphore, #tpu.memory_space<semaphore_mem>>)
    %dma_start3A_9 = arith.constant 128 : i32
    %dma_start3A_10 = tpu.memref_slice %arg5[%dma_start3A_9] : memref<25600xi32, #tpu.memory_space<vmem>> -> memref<128xi32, #tpu.memory_space<vmem>>
    %dma_start3A_11 = arith.constant 0 : i32
    %dma_start3A_12 = arith.constant 0 : i32
    %dma_start3A_13 = tpu.memref_slice %arg2[%dma_start3A_11, %dma_start3A_12] : memref<100000x128xf32, #tpu.memory_space<hbm>> -> memref<100000x128xf32, #tpu.memory_space<hbm>>
    tpu.enqueue_indirect_dma source(%dma_start3A_13 : memref<100000x128xf32, #tpu.memory_space<hbm>>) target(%arg7 : memref<128x128xf32, #tpu.memory_space<vmem>>) offsets(%dma_start3A_10 : memref<128xi32, #tpu.memory_space<vmem>>) semaphore(%arg12 : memref<!tpu.dma_semaphore, #tpu.memory_space<semaphore_mem>>)
    %dma_start3A_14 = arith.constant 256 : i32
    %dma_start3A_15 = tpu.memref_slice %arg5[%dma_start3A_14] : memref<25600xi32, #tpu.memory_space<vmem>> -> memref<128xi32, #tpu.memory_space<vmem>>
    %dma_start3A_16 = arith.constant 0 : i32
    %dma_start3A_17 = arith.constant 0 : i32
    %dma_start3A_18 = tpu.memref_slice %arg2[%dma_start3A_16, %dma_start3A_17] : memref<100000x128xf32, #tpu.memory_space<hbm>> -> memref<100000x128xf32, #tpu.memory_space<hbm>>
    tpu.enqueue_indirect_dma source(%dma_start3A_18 : memref<100000x128xf32, #tpu.memory_space<hbm>>) target(%arg8 : memref<128x128xf32, #tpu.memory_space<vmem>>) offsets(%dma_start3A_15 : memref<128xi32, #tpu.memory_space<vmem>>) semaphore(%arg13 : memref<!tpu.dma_semaphore, #tpu.memory_space<semaphore_mem>>)
    %dma_start3A_19 = arith.constant 384 : i32
    %dma_start3A_20 = tpu.memref_slice %arg5[%dma_start3A_19] : memref<25600xi32, #tpu.memory_space<vmem>> -> memref<128xi32, #tpu.memory_space<vmem>>
    %dma_start3A_21 = arith.constant 0 : i32
    %dma_start3A_22 = arith.constant 0 : i32
    %dma_start3A_23 = tpu.memref_slice %arg2[%dma_start3A_21, %dma_start3A_22] : memref<100000x128xf32, #tpu.memory_space<hbm>> -> memref<100000x128xf32, #tpu.memory_space<hbm>>
    tpu.enqueue_indirect_dma source(%dma_start3A_23 : memref<100000x128xf32, #tpu.memory_space<hbm>>) target(%arg9 : memref<128x128xf32, #tpu.memory_space<vmem>>) offsets(%dma_start3A_20 : memref<128xi32, #tpu.memory_space<vmem>>) semaphore(%arg14 : memref<!tpu.dma_semaphore, #tpu.memory_space<semaphore_mem>>)
    %dma_wait3A = arith.constant 0 : i32
    %dma_wait3A_24 = tpu.memref_slice %arg5[%dma_wait3A] : memref<25600xi32, #tpu.memory_space<vmem>> -> memref<128xi32, #tpu.memory_space<vmem>>
    %dma_wait3A_25 = arith.constant 0 : i32
    %dma_wait3A_26 = arith.constant 0 : i32
    %dma_wait3A_27 = tpu.memref_slice %arg2[%dma_wait3A_25, %dma_wait3A_26] : memref<100000x128xf32, #tpu.memory_space<hbm>> -> memref<100000x128xf32, #tpu.memory_space<hbm>>
    tpu.wait_indirect_dma semaphore(%arg11 : memref<!tpu.dma_semaphore, #tpu.memory_space<semaphore_mem>>) src(%dma_wait3A_27 : memref<100000x128xf32, #tpu.memory_space<hbm>>) dst(%arg6 : memref<128x128xf32, #tpu.memory_space<vmem>>)
    %add3A_28 = arith.constant 0 : i32
    %add3A_29 = arith.addi %add3A_28, %add3A : i32
    %mul3A_30 = arith.constant 128 : i32
    %mul3A_31 = arith.muli %add3A_29, %mul3A_30 : i32
    %dma_start3A_32 = arith.constant 0 : i32
    %dma_start3A_33 = tpu.memref_slice %arg4[%mul3A_31, %dma_start3A_32] : memref<819200x128xf32, #tpu.memory_space<hbm>> -> memref<128x128xf32, #tpu.memory_space<hbm>>
    %dma_start3A_34 = arith.constant 0 : i32
    %dma_start3A_35 = tpu.memref_slice %arg4[%mul3A_31, %dma_start3A_34] : memref<819200x128xf32, #tpu.memory_space<hbm>> -> memref<128x128xf32, #tpu.memory_space<hbm>>
    tpu.enqueue_dma source(%arg6 : memref<128x128xf32, #tpu.memory_space<vmem>>) target(%dma_start3A_35 : memref<128x128xf32, #tpu.memory_space<hbm>>) target_semaphore(%arg16 : memref<!tpu.dma_semaphore, #tpu.memory_space<semaphore_mem>>)
    %dma_start3A_36 = arith.constant 512 : i32
    %dma_start3A_37 = tpu.memref_slice %arg5[%dma_start3A_36] : memref<25600xi32, #tpu.memory_space<vmem>> -> memref<128xi32, #tpu.memory_space<vmem>>
    %dma_start3A_38 = arith.constant 0 : i32
    %dma_start3A_39 = arith.constant 0 : i32
    %dma_start3A_40 = tpu.memref_slice %arg2[%dma_start3A_38, %dma_start3A_39] : memref<100000x128xf32, #tpu.memory_space<hbm>> -> memref<100000x128xf32, #tpu.memory_space<hbm>>
    tpu.enqueue_indirect_dma source(%dma_start3A_40 : memref<100000x128xf32, #tpu.memory_space<hbm>>) target(%arg10 : memref<128x128xf32, #tpu.memory_space<vmem>>) offsets(%dma_start3A_37 : memref<128xi32, #tpu.memory_space<vmem>>) semaphore(%arg15 : memref<!tpu.dma_semaphore, #tpu.memory_space<semaphore_mem>>)
    %dma_wait3A_41 = arith.constant 0 : i32
    %dma_wait3A_42 = tpu.memref_slice %arg5[%dma_wait3A_41] : memref<25600xi32, #tpu.memory_space<vmem>> -> memref<128xi32, #tpu.memory_space<vmem>>
    %dma_wait3A_43 = arith.constant 0 : i32
    %dma_wait3A_44 = arith.constant 0 : i32
    %dma_wait3A_45 = tpu.memref_slice %arg2[%dma_wait3A_43, %dma_wait3A_44] : memref<100000x128xf32, #tpu.memory_space<hbm>> -> memref<100000x128xf32, #tpu.memory_space<hbm>>
    tpu.wait_indirect_dma semaphore(%arg12 : memref<!tpu.dma_semaphore, #tpu.memory_space<semaphore_mem>>) src(%dma_wait3A_45 : memref<100000x128xf32, #tpu.memory_space<hbm>>) dst(%arg7 : memref<128x128xf32, #tpu.memory_space<vmem>>)
    %add3A_46 = arith.constant 32 : i32
    %add3A_47 = arith.addi %add3A_46, %add3A : i32
    %mul3A_48 = arith.constant 128 : i32
    %mul3A_49 = arith.muli %add3A_47, %mul3A_48 : i32
    %dma_start3A_50 = arith.constant 0 : i32
    %dma_start3A_51 = tpu.memref_slice %arg4[%mul3A_49, %dma_start3A_50] : memref<819200x128xf32, #tpu.memory_space<hbm>> -> memref<128x128xf32, #tpu.memory_space<hbm>>
    %dma_start3A_52 = arith.constant 0 : i32
    %dma_start3A_53 = tpu.memref_slice %arg4[%mul3A_49, %dma_start3A_52] : memref<819200x128xf32, #tpu.memory_space<hbm>> -> memref<128x128xf32, #tpu.memory_space<hbm>>
    tpu.enqueue_dma source(%arg7 : memref<128x128xf32, #tpu.memory_space<vmem>>) target(%dma_start3A_53 : memref<128x128xf32, #tpu.memory_space<hbm>>) target_semaphore(%arg17 : memref<!tpu.dma_semaphore, #tpu.memory_space<semaphore_mem>>)
    %scan3A = arith.constant 0 : i32
    %scan3A_54 = arith.constant 1 : i32
    %scan3A_55 = arith.constant 39 : i32
    %scan3A_56 = arith.addi %scan3A_54, %scan3A_55 : i32
    %scan3A_57 = arith.constant 1 : i32
    scf.for %scan3A_128 = %scan3A_54 to %scan3A_56 step %scan3A_57  : i32 {
      %mul3A_129 = arith.constant 5 : i32
      %mul3A_130 = arith.muli %scan3A_128, %mul3A_129 : i32
      %add3A_131 = arith.constant 0 : i32
      %add3A_132 = arith.addi %mul3A_130, %add3A_131 : i32
      %dma_wait3A_133 = arith.constant 0 : i32
      %dma_wait3A_134 = arith.constant 0 : i32
      %dma_wait3A_135 = tpu.memref_slice %arg4[%dma_wait3A_133, %dma_wait3A_134] : memref<819200x128xf32, #tpu.memory_space<hbm>> -> memref<128x128xf32, #tpu.memory_space<hbm>>
      %dma_wait3A_136 = arith.constant 0 : i32
      %dma_wait3A_137 = arith.constant 0 : i32
      %dma_wait3A_138 = tpu.memref_slice %arg4[%dma_wait3A_136, %dma_wait3A_137] : memref<819200x128xf32, #tpu.memory_space<hbm>> -> memref<128x128xf32, #tpu.memory_space<hbm>>
      tpu.wait_dma2 semaphore(%arg16 : memref<!tpu.dma_semaphore, #tpu.memory_space<semaphore_mem>>) src(%arg6 : memref<128x128xf32, #tpu.memory_space<vmem>>) dst(%dma_wait3A_138 : memref<128x128xf32, #tpu.memory_space<hbm>>)
      %mul3A_139 = arith.constant 128 : i32
      %mul3A_140 = arith.muli %add3A_132, %mul3A_139 : i32
      %dma_start3A_141 = tpu.memref_slice %arg5[%mul3A_140] : memref<25600xi32, #tpu.memory_space<vmem>> -> memref<128xi32, #tpu.memory_space<vmem>>
      %dma_start3A_142 = arith.constant 0 : i32
      %dma_start3A_143 = arith.constant 0 : i32
      %dma_start3A_144 = tpu.memref_slice %arg2[%dma_start3A_142, %dma_start3A_143] : memref<100000x128xf32, #tpu.memory_space<hbm>> -> memref<100000x128xf32, #tpu.memory_space<hbm>>
      tpu.enqueue_indirect_dma source(%dma_start3A_144 : memref<100000x128xf32, #tpu.memory_space<hbm>>) target(%arg6 : memref<128x128xf32, #tpu.memory_space<vmem>>) offsets(%dma_start3A_141 : memref<128xi32, #tpu.memory_space<vmem>>) semaphore(%arg11 : memref<!tpu.dma_semaphore, #tpu.memory_space<semaphore_mem>>)
      %dma_wait3A_145 = arith.constant 0 : i32
      %dma_wait3A_146 = tpu.memref_slice %arg5[%dma_wait3A_145] : memref<25600xi32, #tpu.memory_space<vmem>> -> memref<128xi32, #tpu.memory_space<vmem>>
      %dma_wait3A_147 = arith.constant 0 : i32
      %dma_wait3A_148 = arith.constant 0 : i32
      %dma_wait3A_149 = tpu.memref_slice %arg2[%dma_wait3A_147, %dma_wait3A_148] : memref<100000x128xf32, #tpu.memory_space<hbm>> -> memref<100000x128xf32, #tpu.memory_space<hbm>>
      tpu.wait_indirect_dma semaphore(%arg13 : memref<!tpu.dma_semaphore, #tpu.memory_space<semaphore_mem>>) src(%dma_wait3A_149 : memref<100000x128xf32, #tpu.memory_space<hbm>>) dst(%arg8 : memref<128x128xf32, #tpu.memory_space<vmem>>)
      %sub3A = arith.constant 3 : i32
      %sub3A_150 = arith.subi %add3A_132, %sub3A : i32
      %mul3A_151 = arith.constant 32 : i32
      %mul3A_152 = arith.muli %sub3A_150, %mul3A_151 : i32
      %add3A_153 = arith.addi %mul3A_152, %add3A : i32
      %mul3A_154 = arith.constant 128 : i32
      %mul3A_155 = arith.muli %add3A_153, %mul3A_154 : i32
      %dma_start3A_156 = arith.constant 0 : i32
      %dma_start3A_157 = tpu.memref_slice %arg4[%mul3A_155, %dma_start3A_156] : memref<819200x128xf32, #tpu.memory_space<hbm>> -> memref<128x128xf32, #tpu.memory_space<hbm>>
      %dma_start3A_158 = arith.constant 0 : i32
      %dma_start3A_159 = tpu.memref_slice %arg4[%mul3A_155, %dma_start3A_158] : memref<819200x128xf32, #tpu.memory_space<hbm>> -> memref<128x128xf32, #tpu.memory_space<hbm>>
      tpu.enqueue_dma source(%arg8 : memref<128x128xf32, #tpu.memory_space<vmem>>) target(%dma_start3A_159 : memref<128x128xf32, #tpu.memory_space<hbm>>) target_semaphore(%arg18 : memref<!tpu.dma_semaphore, #tpu.memory_space<semaphore_mem>>)
      %mul3A_160 = arith.constant 5 : i32
      %mul3A_161 = arith.muli %scan3A_128, %mul3A_160 : i32
      %add3A_162 = arith.constant 1 : i32
      %add3A_163 = arith.addi %mul3A_161, %add3A_162 : i32
      %dma_wait3A_164 = arith.constant 0 : i32
      %dma_wait3A_165 = arith.constant 0 : i32
      %dma_wait3A_166 = tpu.memref_slice %arg4[%dma_wait3A_164, %dma_wait3A_165] : memref<819200x128xf32, #tpu.memory_space<hbm>> -> memref<128x128xf32, #tpu.memory_space<hbm>>
      %dma_wait3A_167 = arith.constant 0 : i32
      %dma_wait3A_168 = arith.constant 0 : i32
      %dma_wait3A_169 = tpu.memref_slice %arg4[%dma_wait3A_167, %dma_wait3A_168] : memref<819200x128xf32, #tpu.memory_space<hbm>> -> memref<128x128xf32, #tpu.memory_space<hbm>>
      tpu.wait_dma2 semaphore(%arg17 : memref<!tpu.dma_semaphore, #tpu.memory_space<semaphore_mem>>) src(%arg7 : memref<128x128xf32, #tpu.memory_space<vmem>>) dst(%dma_wait3A_169 : memref<128x128xf32, #tpu.memory_space<hbm>>)
      %mul3A_170 = arith.constant 128 : i32
      %mul3A_171 = arith.muli %add3A_163, %mul3A_170 : i32
      %dma_start3A_172 = tpu.memref_slice %arg5[%mul3A_171] : memref<25600xi32, #tpu.memory_space<vmem>> -> memref<128xi32, #tpu.memory_space<vmem>>
      %dma_start3A_173 = arith.constant 0 : i32
      %dma_start3A_174 = arith.constant 0 : i32
      %dma_start3A_175 = tpu.memref_slice %arg2[%dma_start3A_173, %dma_start3A_174] : memref<100000x128xf32, #tpu.memory_space<hbm>> -> memref<100000x128xf32, #tpu.memory_space<hbm>>
      tpu.enqueue_indirect_dma source(%dma_start3A_175 : memref<100000x128xf32, #tpu.memory_space<hbm>>) target(%arg7 : memref<128x128xf32, #tpu.memory_space<vmem>>) offsets(%dma_start3A_172 : memref<128xi32, #tpu.memory_space<vmem>>) semaphore(%arg12 : memref<!tpu.dma_semaphore, #tpu.memory_space<semaphore_mem>>)
      %dma_wait3A_176 = arith.constant 0 : i32
      %dma_wait3A_177 = tpu.memref_slice %arg5[%dma_wait3A_176] : memref<25600xi32, #tpu.memory_space<vmem>> -> memref<128xi32, #tpu.memory_space<vmem>>
      %dma_wait3A_178 = arith.constant 0 : i32
      %dma_wait3A_179 = arith.constant 0 : i32
      %dma_wait3A_180 = tpu.memref_slice %arg2[%dma_wait3A_178, %dma_wait3A_179] : memref<100000x128xf32, #tpu.memory_space<hbm>> -> memref<100000x128xf32, #tpu.memory_space<hbm>>
      tpu.wait_indirect_dma semaphore(%arg14 : memref<!tpu.dma_semaphore, #tpu.memory_space<semaphore_mem>>) src(%dma_wait3A_180 : memref<100000x128xf32, #tpu.memory_space<hbm>>) dst(%arg9 : memref<128x128xf32, #tpu.memory_space<vmem>>)
      %sub3A_181 = arith.constant 3 : i32
      %sub3A_182 = arith.subi %add3A_163, %sub3A_181 : i32
      %mul3A_183 = arith.constant 32 : i32
      %mul3A_184 = arith.muli %sub3A_182, %mul3A_183 : i32
      %add3A_185 = arith.addi %mul3A_184, %add3A : i32
      %mul3A_186 = arith.constant 128 : i32
      %mul3A_187 = arith.muli %add3A_185, %mul3A_186 : i32
      %dma_start3A_188 = arith.constant 0 : i32
      %dma_start3A_189 = tpu.memref_slice %arg4[%mul3A_187, %dma_start3A_188] : memref<819200x128xf32, #tpu.memory_space<hbm>> -> memref<128x128xf32, #tpu.memory_space<hbm>>
      %dma_start3A_190 = arith.constant 0 : i32
      %dma_start3A_191 = tpu.memref_slice %arg4[%mul3A_187, %dma_start3A_190] : memref<819200x128xf32, #tpu.memory_space<hbm>> -> memref<128x128xf32, #tpu.memory_space<hbm>>
      tpu.enqueue_dma source(%arg9 : memref<128x128xf32, #tpu.memory_space<vmem>>) target(%dma_start3A_191 : memref<128x128xf32, #tpu.memory_space<hbm>>) target_semaphore(%arg19 : memref<!tpu.dma_semaphore, #tpu.memory_space<semaphore_mem>>)
      %mul3A_192 = arith.constant 5 : i32
      %mul3A_193 = arith.muli %scan3A_128, %mul3A_192 : i32
      %add3A_194 = arith.constant 2 : i32
      %add3A_195 = arith.addi %mul3A_193, %add3A_194 : i32
      %dma_wait3A_196 = arith.constant 0 : i32
      %dma_wait3A_197 = arith.constant 0 : i32
      %dma_wait3A_198 = tpu.memref_slice %arg4[%dma_wait3A_196, %dma_wait3A_197] : memref<819200x128xf32, #tpu.memory_space<hbm>> -> memref<128x128xf32, #tpu.memory_space<hbm>>
      %dma_wait3A_199 = arith.constant 0 : i32
      %dma_wait3A_200 = arith.constant 0 : i32
      %dma_wait3A_201 = tpu.memref_slice %arg4[%dma_wait3A_199, %dma_wait3A_200] : memref<819200x128xf32, #tpu.memory_space<hbm>> -> memref<128x128xf32, #tpu.memory_space<hbm>>
      tpu.wait_dma2 semaphore(%arg18 : memref<!tpu.dma_semaphore, #tpu.memory_space<semaphore_mem>>) src(%arg8 : memref<128x128xf32, #tpu.memory_space<vmem>>) dst(%dma_wait3A_201 : memref<128x128xf32, #tpu.memory_space<hbm>>)
      %mul3A_202 = arith.constant 128 : i32
      %mul3A_203 = arith.muli %add3A_195, %mul3A_202 : i32
      %dma_start3A_204 = tpu.memref_slice %arg5[%mul3A_203] : memref<25600xi32, #tpu.memory_space<vmem>> -> memref<128xi32, #tpu.memory_space<vmem>>
      %dma_start3A_205 = arith.constant 0 : i32
      %dma_start3A_206 = arith.constant 0 : i32
      %dma_start3A_207 = tpu.memref_slice %arg2[%dma_start3A_205, %dma_start3A_206] : memref<100000x128xf32, #tpu.memory_space<hbm>> -> memref<100000x128xf32, #tpu.memory_space<hbm>>
      tpu.enqueue_indirect_dma source(%dma_start3A_207 : memref<100000x128xf32, #tpu.memory_space<hbm>>) target(%arg8 : memref<128x128xf32, #tpu.memory_space<vmem>>) offsets(%dma_start3A_204 : memref<128xi32, #tpu.memory_space<vmem>>) semaphore(%arg13 : memref<!tpu.dma_semaphore, #tpu.memory_space<semaphore_mem>>)
      %dma_wait3A_208 = arith.constant 0 : i32
      %dma_wait3A_209 = tpu.memref_slice %arg5[%dma_wait3A_208] : memref<25600xi32, #tpu.memory_space<vmem>> -> memref<128xi32, #tpu.memory_space<vmem>>
      %dma_wait3A_210 = arith.constant 0 : i32
      %dma_wait3A_211 = arith.constant 0 : i32
      %dma_wait3A_212 = tpu.memref_slice %arg2[%dma_wait3A_210, %dma_wait3A_211] : memref<100000x128xf32, #tpu.memory_space<hbm>> -> memref<100000x128xf32, #tpu.memory_space<hbm>>
      tpu.wait_indirect_dma semaphore(%arg15 : memref<!tpu.dma_semaphore, #tpu.memory_space<semaphore_mem>>) src(%dma_wait3A_212 : memref<100000x128xf32, #tpu.memory_space<hbm>>) dst(%arg10 : memref<128x128xf32, #tpu.memory_space<vmem>>)
      %sub3A_213 = arith.constant 3 : i32
      %sub3A_214 = arith.subi %add3A_195, %sub3A_213 : i32
      %mul3A_215 = arith.constant 32 : i32
      %mul3A_216 = arith.muli %sub3A_214, %mul3A_215 : i32
      %add3A_217 = arith.addi %mul3A_216, %add3A : i32
      %mul3A_218 = arith.constant 128 : i32
      %mul3A_219 = arith.muli %add3A_217, %mul3A_218 : i32
      %dma_start3A_220 = arith.constant 0 : i32
      %dma_start3A_221 = tpu.memref_slice %arg4[%mul3A_219, %dma_start3A_220] : memref<819200x128xf32, #tpu.memory_space<hbm>> -> memref<128x128xf32, #tpu.memory_space<hbm>>
      %dma_start3A_222 = arith.constant 0 : i32
      %dma_start3A_223 = tpu.memref_slice %arg4[%mul3A_219, %dma_start3A_222] : memref<819200x128xf32, #tpu.memory_space<hbm>> -> memref<128x128xf32, #tpu.memory_space<hbm>>
      tpu.enqueue_dma source(%arg10 : memref<128x128xf32, #tpu.memory_space<vmem>>) target(%dma_start3A_223 : memref<128x128xf32, #tpu.memory_space<hbm>>) target_semaphore(%arg20 : memref<!tpu.dma_semaphore, #tpu.memory_space<semaphore_mem>>)
      %mul3A_224 = arith.constant 5 : i32
      %mul3A_225 = arith.muli %scan3A_128, %mul3A_224 : i32
      %add3A_226 = arith.constant 3 : i32
      %add3A_227 = arith.addi %mul3A_225, %add3A_226 : i32
      %dma_wait3A_228 = arith.constant 0 : i32
      %dma_wait3A_229 = arith.constant 0 : i32
      %dma_wait3A_230 = tpu.memref_slice %arg4[%dma_wait3A_228, %dma_wait3A_229] : memref<819200x128xf32, #tpu.memory_space<hbm>> -> memref<128x128xf32, #tpu.memory_space<hbm>>
      %dma_wait3A_231 = arith.constant 0 : i32
      %dma_wait3A_232 = arith.constant 0 : i32
      %dma_wait3A_233 = tpu.memref_slice %arg4[%dma_wait3A_231, %dma_wait3A_232] : memref<819200x128xf32, #tpu.memory_space<hbm>> -> memref<128x128xf32, #tpu.memory_space<hbm>>
      tpu.wait_dma2 semaphore(%arg19 : memref<!tpu.dma_semaphore, #tpu.memory_space<semaphore_mem>>) src(%arg9 : memref<128x128xf32, #tpu.memory_space<vmem>>) dst(%dma_wait3A_233 : memref<128x128xf32, #tpu.memory_space<hbm>>)
      %mul3A_234 = arith.constant 128 : i32
      %mul3A_235 = arith.muli %add3A_227, %mul3A_234 : i32
      %dma_start3A_236 = tpu.memref_slice %arg5[%mul3A_235] : memref<25600xi32, #tpu.memory_space<vmem>> -> memref<128xi32, #tpu.memory_space<vmem>>
      %dma_start3A_237 = arith.constant 0 : i32
      %dma_start3A_238 = arith.constant 0 : i32
      %dma_start3A_239 = tpu.memref_slice %arg2[%dma_start3A_237, %dma_start3A_238] : memref<100000x128xf32, #tpu.memory_space<hbm>> -> memref<100000x128xf32, #tpu.memory_space<hbm>>
      tpu.enqueue_indirect_dma source(%dma_start3A_239 : memref<100000x128xf32, #tpu.memory_space<hbm>>) target(%arg9 : memref<128x128xf32, #tpu.memory_space<vmem>>) offsets(%dma_start3A_236 : memref<128xi32, #tpu.memory_space<vmem>>) semaphore(%arg14 : memref<!tpu.dma_semaphore, #tpu.memory_space<semaphore_mem>>)
      %dma_wait3A_240 = arith.constant 0 : i32
      %dma_wait3A_241 = tpu.memref_slice %arg5[%dma_wait3A_240] : memref<25600xi32, #tpu.memory_space<vmem>> -> memref<128xi32, #tpu.memory_space<vmem>>
      %dma_wait3A_242 = arith.constant 0 : i32
      %dma_wait3A_243 = arith.constant 0 : i32
      %dma_wait3A_244 = tpu.memref_slice %arg2[%dma_wait3A_242, %dma_wait3A_243] : memref<100000x128xf32, #tpu.memory_space<hbm>> -> memref<100000x128xf32, #tpu.memory_space<hbm>>
      tpu.wait_indirect_dma semaphore(%arg11 : memref<!tpu.dma_semaphore, #tpu.memory_space<semaphore_mem>>) src(%dma_wait3A_244 : memref<100000x128xf32, #tpu.memory_space<hbm>>) dst(%arg6 : memref<128x128xf32, #tpu.memory_space<vmem>>)
      %sub3A_245 = arith.constant 3 : i32
      %sub3A_246 = arith.subi %add3A_227, %sub3A_245 : i32
      %mul3A_247 = arith.constant 32 : i32
      %mul3A_248 = arith.muli %sub3A_246, %mul3A_247 : i32
      %add3A_249 = arith.addi %mul3A_248, %add3A : i32
      %mul3A_250 = arith.constant 128 : i32
      %mul3A_251 = arith.muli %add3A_249, %mul3A_250 : i32
      %dma_start3A_252 = arith.constant 0 : i32
      %dma_start3A_253 = tpu.memref_slice %arg4[%mul3A_251, %dma_start3A_252] : memref<819200x128xf32, #tpu.memory_space<hbm>> -> memref<128x128xf32, #tpu.memory_space<hbm>>
      %dma_start3A_254 = arith.constant 0 : i32
      %dma_start3A_255 = tpu.memref_slice %arg4[%mul3A_251, %dma_start3A_254] : memref<819200x128xf32, #tpu.memory_space<hbm>> -> memref<128x128xf32, #tpu.memory_space<hbm>>
      tpu.enqueue_dma source(%arg6 : memref<128x128xf32, #tpu.memory_space<vmem>>) target(%dma_start3A_255 : memref<128x128xf32, #tpu.memory_space<hbm>>) target_semaphore(%arg16 : memref<!tpu.dma_semaphore, #tpu.memory_space<semaphore_mem>>)
      %mul3A_256 = arith.constant 5 : i32
      %mul3A_257 = arith.muli %scan3A_128, %mul3A_256 : i32
      %add3A_258 = arith.constant 4 : i32
      %add3A_259 = arith.addi %mul3A_257, %add3A_258 : i32
      %dma_wait3A_260 = arith.constant 0 : i32
      %dma_wait3A_261 = arith.constant 0 : i32
      %dma_wait3A_262 = tpu.memref_slice %arg4[%dma_wait3A_260, %dma_wait3A_261] : memref<819200x128xf32, #tpu.memory_space<hbm>> -> memref<128x128xf32, #tpu.memory_space<hbm>>
      %dma_wait3A_263 = arith.constant 0 : i32
      %dma_wait3A_264 = arith.constant 0 : i32
      %dma_wait3A_265 = tpu.memref_slice %arg4[%dma_wait3A_263, %dma_wait3A_264] : memref<819200x128xf32, #tpu.memory_space<hbm>> -> memref<128x128xf32, #tpu.memory_space<hbm>>
      tpu.wait_dma2 semaphore(%arg20 : memref<!tpu.dma_semaphore, #tpu.memory_space<semaphore_mem>>) src(%arg10 : memref<128x128xf32, #tpu.memory_space<vmem>>) dst(%dma_wait3A_265 : memref<128x128xf32, #tpu.memory_space<hbm>>)
      %mul3A_266 = arith.constant 128 : i32
      %mul3A_267 = arith.muli %add3A_259, %mul3A_266 : i32
      %dma_start3A_268 = tpu.memref_slice %arg5[%mul3A_267] : memref<25600xi32, #tpu.memory_space<vmem>> -> memref<128xi32, #tpu.memory_space<vmem>>
      %dma_start3A_269 = arith.constant 0 : i32
      %dma_start3A_270 = arith.constant 0 : i32
      %dma_start3A_271 = tpu.memref_slice %arg2[%dma_start3A_269, %dma_start3A_270] : memref<100000x128xf32, #tpu.memory_space<hbm>> -> memref<100000x128xf32, #tpu.memory_space<hbm>>
      tpu.enqueue_indirect_dma source(%dma_start3A_271 : memref<100000x128xf32, #tpu.memory_space<hbm>>) target(%arg10 : memref<128x128xf32, #tpu.memory_space<vmem>>) offsets(%dma_start3A_268 : memref<128xi32, #tpu.memory_space<vmem>>) semaphore(%arg15 : memref<!tpu.dma_semaphore, #tpu.memory_space<semaphore_mem>>)
      %dma_wait3A_272 = arith.constant 0 : i32
      %dma_wait3A_273 = tpu.memref_slice %arg5[%dma_wait3A_272] : memref<25600xi32, #tpu.memory_space<vmem>> -> memref<128xi32, #tpu.memory_space<vmem>>
      %dma_wait3A_274 = arith.constant 0 : i32
      %dma_wait3A_275 = arith.constant 0 : i32
      %dma_wait3A_276 = tpu.memref_slice %arg2[%dma_wait3A_274, %dma_wait3A_275] : memref<100000x128xf32, #tpu.memory_space<hbm>> -> memref<100000x128xf32, #tpu.memory_space<hbm>>
      tpu.wait_indirect_dma semaphore(%arg12 : memref<!tpu.dma_semaphore, #tpu.memory_space<semaphore_mem>>) src(%dma_wait3A_276 : memref<100000x128xf32, #tpu.memory_space<hbm>>) dst(%arg7 : memref<128x128xf32, #tpu.memory_space<vmem>>)
      %sub3A_277 = arith.constant 3 : i32
      %sub3A_278 = arith.subi %add3A_259, %sub3A_277 : i32
      %mul3A_279 = arith.constant 32 : i32
      %mul3A_280 = arith.muli %sub3A_278, %mul3A_279 : i32
      %add3A_281 = arith.addi %mul3A_280, %add3A : i32
      %mul3A_282 = arith.constant 128 : i32
      %mul3A_283 = arith.muli %add3A_281, %mul3A_282 : i32
      %dma_start3A_284 = arith.constant 0 : i32
      %dma_start3A_285 = tpu.memref_slice %arg4[%mul3A_283, %dma_start3A_284] : memref<819200x128xf32, #tpu.memory_space<hbm>> -> memref<128x128xf32, #tpu.memory_space<hbm>>
      %dma_start3A_286 = arith.constant 0 : i32
      %dma_start3A_287 = tpu.memref_slice %arg4[%mul3A_283, %dma_start3A_286] : memref<819200x128xf32, #tpu.memory_space<hbm>> -> memref<128x128xf32, #tpu.memory_space<hbm>>
      tpu.enqueue_dma source(%arg7 : memref<128x128xf32, #tpu.memory_space<vmem>>) target(%dma_start3A_287 : memref<128x128xf32, #tpu.memory_space<hbm>>) target_semaphore(%arg17 : memref<!tpu.dma_semaphore, #tpu.memory_space<semaphore_mem>>)
    }
    %scan3A_58 = arith.constant 39 : i32
    %dma_wait3A_59 = arith.constant 0 : i32
    %dma_wait3A_60 = tpu.memref_slice %arg5[%dma_wait3A_59] : memref<25600xi32, #tpu.memory_space<vmem>> -> memref<128xi32, #tpu.memory_space<vmem>>
    %dma_wait3A_61 = arith.constant 0 : i32
    %dma_wait3A_62 = arith.constant 0 : i32
    %dma_wait3A_63 = tpu.memref_slice %arg2[%dma_wait3A_61, %dma_wait3A_62] : memref<100000x128xf32, #tpu.memory_space<hbm>> -> memref<100000x128xf32, #tpu.memory_space<hbm>>
    tpu.wait_indirect_dma semaphore(%arg13 : memref<!tpu.dma_semaphore, #tpu.memory_space<semaphore_mem>>) src(%dma_wait3A_63 : memref<100000x128xf32, #tpu.memory_space<hbm>>) dst(%arg8 : memref<128x128xf32, #tpu.memory_space<vmem>>)
    %add3A_64 = arith.constant 6304 : i32
    %add3A_65 = arith.addi %add3A_64, %add3A : i32
    %mul3A_66 = arith.constant 128 : i32
    %mul3A_67 = arith.muli %add3A_65, %mul3A_66 : i32
    %dma_start3A_68 = arith.constant 0 : i32
    %dma_start3A_69 = tpu.memref_slice %arg4[%mul3A_67, %dma_start3A_68] : memref<819200x128xf32, #tpu.memory_space<hbm>> -> memref<128x128xf32, #tpu.memory_space<hbm>>
    %dma_start3A_70 = arith.constant 0 : i32
    %dma_start3A_71 = tpu.memref_slice %arg4[%mul3A_67, %dma_start3A_70] : memref<819200x128xf32, #tpu.memory_space<hbm>> -> memref<128x128xf32, #tpu.memory_space<hbm>>
    tpu.enqueue_dma source(%arg8 : memref<128x128xf32, #tpu.memory_space<vmem>>) target(%dma_start3A_71 : memref<128x128xf32, #tpu.memory_space<hbm>>) target_semaphore(%arg18 : memref<!tpu.dma_semaphore, #tpu.memory_space<semaphore_mem>>)
    %dma_wait3A_72 = arith.constant 0 : i32
    %dma_wait3A_73 = tpu.memref_slice %arg5[%dma_wait3A_72] : memref<25600xi32, #tpu.memory_space<vmem>> -> memref<128xi32, #tpu.memory_space<vmem>>
    %dma_wait3A_74 = arith.constant 0 : i32
    %dma_wait3A_75 = arith.constant 0 : i32
    %dma_wait3A_76 = tpu.memref_slice %arg2[%dma_wait3A_74, %dma_wait3A_75] : memref<100000x128xf32, #tpu.memory_space<hbm>> -> memref<100000x128xf32, #tpu.memory_space<hbm>>
    tpu.wait_indirect_dma semaphore(%arg14 : memref<!tpu.dma_semaphore, #tpu.memory_space<semaphore_mem>>) src(%dma_wait3A_76 : memref<100000x128xf32, #tpu.memory_space<hbm>>) dst(%arg9 : memref<128x128xf32, #tpu.memory_space<vmem>>)
    %add3A_77 = arith.constant 6336 : i32
    %add3A_78 = arith.addi %add3A_77, %add3A : i32
    %mul3A_79 = arith.constant 128 : i32
    %mul3A_80 = arith.muli %add3A_78, %mul3A_79 : i32
    %dma_start3A_81 = arith.constant 0 : i32
    %dma_start3A_82 = tpu.memref_slice %arg4[%mul3A_80, %dma_start3A_81] : memref<819200x128xf32, #tpu.memory_space<hbm>> -> memref<128x128xf32, #tpu.memory_space<hbm>>
    %dma_start3A_83 = arith.constant 0 : i32
    %dma_start3A_84 = tpu.memref_slice %arg4[%mul3A_80, %dma_start3A_83] : memref<819200x128xf32, #tpu.memory_space<hbm>> -> memref<128x128xf32, #tpu.memory_space<hbm>>
    tpu.enqueue_dma source(%arg9 : memref<128x128xf32, #tpu.memory_space<vmem>>) target(%dma_start3A_84 : memref<128x128xf32, #tpu.memory_space<hbm>>) target_semaphore(%arg19 : memref<!tpu.dma_semaphore, #tpu.memory_space<semaphore_mem>>)
    %dma_wait3A_85 = arith.constant 0 : i32
    %dma_wait3A_86 = tpu.memref_slice %arg5[%dma_wait3A_85] : memref<25600xi32, #tpu.memory_space<vmem>> -> memref<128xi32, #tpu.memory_space<vmem>>
    %dma_wait3A_87 = arith.constant 0 : i32
    %dma_wait3A_88 = arith.constant 0 : i32
    %dma_wait3A_89 = tpu.memref_slice %arg2[%dma_wait3A_87, %dma_wait3A_88] : memref<100000x128xf32, #tpu.memory_space<hbm>> -> memref<100000x128xf32, #tpu.memory_space<hbm>>
    tpu.wait_indirect_dma semaphore(%arg15 : memref<!tpu.dma_semaphore, #tpu.memory_space<semaphore_mem>>) src(%dma_wait3A_89 : memref<100000x128xf32, #tpu.memory_space<hbm>>) dst(%arg10 : memref<128x128xf32, #tpu.memory_space<vmem>>)
    %add3A_90 = arith.constant 6368 : i32
    %add3A_91 = arith.addi %add3A_90, %add3A : i32
    %mul3A_92 = arith.constant 128 : i32
    %mul3A_93 = arith.muli %add3A_91, %mul3A_92 : i32
    %dma_start3A_94 = arith.constant 0 : i32
    %dma_start3A_95 = tpu.memref_slice %arg4[%mul3A_93, %dma_start3A_94] : memref<819200x128xf32, #tpu.memory_space<hbm>> -> memref<128x128xf32, #tpu.memory_space<hbm>>
    %dma_start3A_96 = arith.constant 0 : i32
    %dma_start3A_97 = tpu.memref_slice %arg4[%mul3A_93, %dma_start3A_96] : memref<819200x128xf32, #tpu.memory_space<hbm>> -> memref<128x128xf32, #tpu.memory_space<hbm>>
    tpu.enqueue_dma source(%arg10 : memref<128x128xf32, #tpu.memory_space<vmem>>) target(%dma_start3A_97 : memref<128x128xf32, #tpu.memory_space<hbm>>) target_semaphore(%arg20 : memref<!tpu.dma_semaphore, #tpu.memory_space<semaphore_mem>>)
    %dma_wait3A_98 = arith.constant 0 : i32
    %dma_wait3A_99 = arith.constant 0 : i32
    %dma_wait3A_100 = tpu.memref_slice %arg4[%dma_wait3A_98, %dma_wait3A_99] : memref<819200x128xf32, #tpu.memory_space<hbm>> -> memref<128x128xf32, #tpu.memory_space<hbm>>
    %dma_wait3A_101 = arith.constant 0 : i32
    %dma_wait3A_102 = arith.constant 0 : i32
    %dma_wait3A_103 = tpu.memref_slice %arg4[%dma_wait3A_101, %dma_wait3A_102] : memref<819200x128xf32, #tpu.memory_space<hbm>> -> memref<128x128xf32, #tpu.memory_space<hbm>>
    tpu.wait_dma2 semaphore(%arg16 : memref<!tpu.dma_semaphore, #tpu.memory_space<semaphore_mem>>) src(%arg6 : memref<128x128xf32, #tpu.memory_space<vmem>>) dst(%dma_wait3A_103 : memref<128x128xf32, #tpu.memory_space<hbm>>)
    %dma_wait3A_104 = arith.constant 0 : i32
    %dma_wait3A_105 = arith.constant 0 : i32
    %dma_wait3A_106 = tpu.memref_slice %arg4[%dma_wait3A_104, %dma_wait3A_105] : memref<819200x128xf32, #tpu.memory_space<hbm>> -> memref<128x128xf32, #tpu.memory_space<hbm>>
    %dma_wait3A_107 = arith.constant 0 : i32
    %dma_wait3A_108 = arith.constant 0 : i32
    %dma_wait3A_109 = tpu.memref_slice %arg4[%dma_wait3A_107, %dma_wait3A_108] : memref<819200x128xf32, #tpu.memory_space<hbm>> -> memref<128x128xf32, #tpu.memory_space<hbm>>
    tpu.wait_dma2 semaphore(%arg17 : memref<!tpu.dma_semaphore, #tpu.memory_space<semaphore_mem>>) src(%arg7 : memref<128x128xf32, #tpu.memory_space<vmem>>) dst(%dma_wait3A_109 : memref<128x128xf32, #tpu.memory_space<hbm>>)
    %dma_wait3A_110 = arith.constant 0 : i32
    %dma_wait3A_111 = arith.constant 0 : i32
    %dma_wait3A_112 = tpu.memref_slice %arg4[%dma_wait3A_110, %dma_wait3A_111] : memref<819200x128xf32, #tpu.memory_space<hbm>> -> memref<128x128xf32, #tpu.memory_space<hbm>>
    %dma_wait3A_113 = arith.constant 0 : i32
    %dma_wait3A_114 = arith.constant 0 : i32
    %dma_wait3A_115 = tpu.memref_slice %arg4[%dma_wait3A_113, %dma_wait3A_114] : memref<819200x128xf32, #tpu.memory_space<hbm>> -> memref<128x128xf32, #tpu.memory_space<hbm>>
    tpu.wait_dma2 semaphore(%arg18 : memref<!tpu.dma_semaphore, #tpu.memory_space<semaphore_mem>>) src(%arg8 : memref<128x128xf32, #tpu.memory_space<vmem>>) dst(%dma_wait3A_115 : memref<128x128xf32, #tpu.memory_space<hbm>>)
    %dma_wait3A_116 = arith.constant 0 : i32
    %dma_wait3A_117 = arith.constant 0 : i32
    %dma_wait3A_118 = tpu.memref_slice %arg4[%dma_wait3A_116, %dma_wait3A_117] : memref<819200x128xf32, #tpu.memory_space<hbm>> -> memref<128x128xf32, #tpu.memory_space<hbm>>
    %dma_wait3A_119 = arith.constant 0 : i32
    %dma_wait3A_120 = arith.constant 0 : i32
    %dma_wait3A_121 = tpu.memref_slice %arg4[%dma_wait3A_119, %dma_wait3A_120] : memref<819200x128xf32, #tpu.memory_space<hbm>> -> memref<128x128xf32, #tpu.memory_space<hbm>>
    tpu.wait_dma2 semaphore(%arg19 : memref<!tpu.dma_semaphore, #tpu.memory_space<semaphore_mem>>) src(%arg9 : memref<128x128xf32, #tpu.memory_space<vmem>>) dst(%dma_wait3A_121 : memref<128x128xf32, #tpu.memory_space<hbm>>)
    %dma_wait3A_122 = arith.constant 0 : i32
    %dma_wait3A_123 = arith.constant 0 : i32
    %dma_wait3A_124 = tpu.memref_slice %arg4[%dma_wait3A_122, %dma_wait3A_123] : memref<819200x128xf32, #tpu.memory_space<hbm>> -> memref<128x128xf32, #tpu.memory_space<hbm>>
    %dma_wait3A_125 = arith.constant 0 : i32
    %dma_wait3A_126 = arith.constant 0 : i32
    %dma_wait3A_127 = tpu.memref_slice %arg4[%dma_wait3A_125, %dma_wait3A_126] : memref<819200x128xf32, #tpu.memory_space<hbm>> -> memref<128x128xf32, #tpu.memory_space<hbm>>
    tpu.wait_dma2 semaphore(%arg20 : memref<!tpu.dma_semaphore, #tpu.memory_space<semaphore_mem>>) src(%arg10 : memref<128x128xf32, #tpu.memory_space<vmem>>) dst(%dma_wait3A_127 : memref<128x128xf32, #tpu.memory_space<hbm>>)
    return
  }
}

</mosaic_0001>

<sc_bundles>
// kernel: kernel.3.cloned.1.call-start
scs
__scs_entry_jumppad:
0x0: {  	(pc) =	sbr.rel $0x88, $3  }
0x1: {  	(tag) =	ssettag $0x0;
	lr =	simm.s32 $0x1  }
0x2: {  	[smem:$0x3F9F] =	sst lr;
	_ =	strace $0xD0000000  }
0x3: {  	_ = 	snop  }
0x4: {  	_ = 	snop  }
0x5: {  	_ = 	snop  }
0x6: {  	_ = 	snop  }
0x7: {  	_ = 	snop  }
__scs_overlays_trampoline_lowered:
0x8: {  	[smem:$0x3FAE] =	sst s0  }
0x9: {  	[smem:$0x3FAF] =	sst s1  }
0xa: {  	[smem:$0x3FB0] =	sst s2  }
0xb: {  	[smem:$0x3FB1] =	sst s3  }
0xc: {  	[smem:$0x3FB2] =	sst s4  }
0xd: {  	[smem:$0x3FB3] =	sst s5  }
0xe: {  	[smem:$0x3FB4] =	sst s6  }
0xf: {  	[smem:$0x3FB5] =	sst s7  }
0x10: {  	[smem:$0x3FB6] =	sst s8  }
0x11: {  	[smem:$0x3FB7] =	sst s9;
	s0 =	simm.s32 @!p0 $0x0  }
0x12: {  	s1 =	sld [smem:$0x3F9D];
	s0 =	simm.s32 @p0 $0x1  }
0x13: {  	[smem:$0x3FB8] =	sst s0;
	s0 =	simm.s32 @!p1 $0x0  }
0x14: {  	s2 =	sld [smem:$0x3F9C];
	s0 =	simm.s32 @p1 $0x1  }
0x15: {  	[smem:$0x3FB9] =	sst s0;
	s0 =	simm.s32 @!p2 $0x0  }
0x16: {  	s3 =	sld [smem:$0x3FDB];
	s0 =	simm.s32 @p2 $0x1  }
0x17: {  	s4 =	simm.s32 $0x1BF5;
	[smem:$0x3FBB] =	sst s0  }
0x18: {  	s0 =	sld [smem:$0x3F9E];
	_ =	swait.ge [sflag:s4], $0x0  }
0x19: {  	s7 =	sld [smem:$0x3F9F]  }
0x1a: {  	s8 =	sadd.s32 $0xFFFFE003, lr  }
0x1b: {  	s9 =	sadd.s32 $0xFFFFFEF7, lr;
	s5 =	simm.s32 $0xFFFFFFFF;
	p2 =	slt.u32 s8, $0xFFFFF086  }
0x1c: {  	p1 =	slt.u32 s9, $0xF7A;
	s5 =	simm.s32 @!p2 $0x0  }
0x1d: {  	s5 =	simm.s32 @p1 $0x1;
	p0 =	seq.s32 s7, s2  }
0x1e: {  	s7 =	smul.u32 @!p0 $0xF7A, s2;
	p2 =	seq.s32 @!p0 s5, $0x0  }
0x1f: {  	s9 =	smul.u32 $0xF7A, s1;
	s8 =	simm.s32 @!p0 $0x1BF5;
	p2 =	por !p2, p0  }
0x20: {  	[sflag:s8] =	ssyncset.s32 @!p0 $0xFFFFF086;
	s6 =	sadd.s32 @!p0 s3, s7;
	s7 =	simm.s32 @!p0 $0x108  }
0x21: {  	s3 =	sadd.s32 s3, s9;
	s6 =	sadd.s32 @!p0 $0x88, s6;
	s7 =	simm.s32 @p2 $0x1082  }
0x22: {  	[simem:s7], [sflag:s8] =	dma.local @!p0 [hbm:s6], $0xF7A  }
0x23: {  	s9 =	sor.u32 $0xD0000000, s2;
	s6 =	simm.s32 $0x108;
	_ =	swait.ge @!p0 [sflag:s8], $0x0  }
0x24: {  	s3 =	sadd.s32 $0x88, s3;
	s6 =	simm.s32 @!p1 $0x1082;
	[sflag:s4] =	ssyncset.s32 $0xFFFFF086  }
0x25: {  	[simem:s6], [sflag:s4] =	dma.local [hbm:s3], $0xF7A  }
0x26: {  	[smem:$0x3F9F] =	sst s1;
	(tag) =	ssettag s2;
	_ =	strace s9  }
0x27: {  	s1 =	sld [smem:$0x3FAF]  }
0x28: {  	s2 =	sld [smem:$0x3FB0]  }
0x29: {  	s4 =	sld [smem:$0x3FB2]  }
0x2a: {  	p0 =	seq.s32 s5, $0x0;
	s5 =	sld [smem:$0x3FB3]  }
0x2b: {  	s6 =	sld [smem:$0x3FB4]  }
0x2c: {  	s7 =	sld [smem:$0x3FB5]  }
0x2d: {  	s3 =	simm.s32 $0x108;
	s8 =	sld [smem:$0x3FB6]  }
0x2e: {  	s3 =	simm.s32 @!p0 $0x1082;
	s9 =	sld [smem:$0x3FB7]  }
0x2f: {  	lr =	sadd.s32 s0, s3;
	s0 =	sld [smem:$0x3FAE]  }
0x30: {  	s3 =	sld [smem:$0x3FB1]  }
0x31: {  	[smem:$0x3FBA] =	sst s10  }
0x32: {  	s10 =	sld [smem:$0x3FB8];
	_ =	sdelay $0x3  }
0x33: {  	p0 =	seq.s32 s10, $0x1;
	s10 =	sld [smem:$0x3FBA];
	_ =	sdelay $0x3  }
0x34: {  	[smem:$0x3FBA] =	sst s10  }
0x35: {  	s10 =	sld [smem:$0x3FB9];
	_ =	sdelay $0x3  }
0x36: {  	p1 =	seq.s32 s10, $0x1;
	s10 =	sld [smem:$0x3FBA];
	_ =	sdelay $0x3  }
0x37: {  	[smem:$0x3FBA] =	sst s10  }
0x38: {  	s10 =	sld [smem:$0x3FBB]  }
0x39: {  	_ = 	snop;
	(pc) =	sbr.ind lr, $3  }
0x3a: {  	_ = 	snop  }
0x3b: {  	_ = 	snop  }
0x3c: {  	p2 =	seq.s32 s10, $0x1;
	s10 =	sld [smem:$0x3FBA]  }
0x3d: {  	_ =	shalt  }
0x3e: {  	_ =	shalt  }
0x3f: {  	_ =	shalt  }
0x40: {  	_ =	shalt  }
0x41: {  	_ =	shalt  }
0x42: {  	_ =	shalt  }
0x43: {  	_ =	shalt  }
0x44: {  	_ =	shalt  }
0x45: {  	_ =	shalt  }
0x46: {  	_ =	shalt  }
0x47: {  	_ =	shalt  }
0x48: {  	_ =	shalt  }
0x49: {  	_ =	shalt  }
0x4a: {  	_ =	shalt  }
0x4b: {  	_ =	shalt  }
0x4c: {  	_ =	shalt  }
0x4d: {  	_ =	shalt  }
0x4e: {  	_ =	shalt  }
0x4f: {  	_ =	shalt  }
0x50: {  	_ =	shalt  }
0x51: {  	_ =	shalt  }
0x52: {  	_ =	shalt  }
0x53: {  	_ =	shalt  }
0x54: {  	_ =	shalt  }
0x55: {  	_ =	shalt  }
0x56: {  	_ =	shalt  }
0x57: {  	_ =	shalt  }
0x58: {  	_ =	shalt  }
0x59: {  	_ =	shalt  }
0x5a: {  	_ =	shalt  }
0x5b: {  	_ =	shalt  }
0x5c: {  	_ =	shalt  }
0x5d: {  	_ =	shalt  }
0x5e: {  	_ =	shalt  }
0x5f: {  	_ =	shalt  }
0x60: {  	_ =	shalt  }
0x61: {  	_ =	shalt  }
0x62: {  	_ =	shalt  }
0x63: {  	_ =	shalt  }
0x64: {  	_ =	shalt  }
0x65: {  	_ =	shalt  }
0x66: {  	_ =	shalt  }
0x67: {  	_ =	shalt  }
0x68: {  	_ =	shalt  }
0x69: {  	_ =	shalt  }
0x6a: {  	_ =	shalt  }
0x6b: {  	_ =	shalt  }
0x6c: {  	_ =	shalt  }
0x6d: {  	_ =	shalt  }
0x6e: {  	_ =	shalt  }
0x6f: {  	_ =	shalt  }
0x70: {  	_ =	shalt  }
0x71: {  	_ =	shalt  }
0x72: {  	_ =	shalt  }
0x73: {  	_ =	shalt  }
0x74: {  	_ =	shalt  }
0x75: {  	_ =	shalt  }
0x76: {  	_ =	shalt  }
0x77: {  	_ =	shalt  }
0x78: {  	_ =	shalt  }
0x79: {  	_ =	shalt  }
0x7a: {  	_ =	shalt  }
0x7b: {  	_ =	shalt  }
0x7c: {  	_ =	shalt  }
0x7d: {  	_ =	shalt  }
0x7e: {  	_ =	shalt  }
0x7f: {  	_ =	shalt  }
0x80: {  	_ =	shalt  }
0x81: {  	_ =	shalt  }
0x82: {  	_ =	shalt  }
0x83: {  	_ =	shalt  }
0x84: {  	_ =	shalt  }
0x85: {  	_ =	shalt  }
0x86: {  	_ =	shalt  }
0x87: {  	_ =	shalt  }
.Lfunc_end0:
.L_simem_size_0:
called_computation_lowered:
.L_overlay_start_0:
0x88: {  	s2 =	sld [smem:$0x3FD9]  }
0x89: {  	s3 =	sld [smem:$0x3FFE];
	_ =	sdelay $0x1  }
0x8a: {  	s1 =	srdreg.scid  }
0x8b: {  	s0 =	sand.u32 $0x1, s1  }
0x8c: {  	s17 =	sshll.u32 s0, $0xA;
	s2 =	sadd.s32 s3, s2  }
0x8d: {  	s2 =	sadd.s32 s2, s17  }
0x8e: {  	[smem:$0x3FC6] =	sst s2  }
0x8f: {  	_ = 	snop  }
0x90: {  	s2 =	sld [smem:$0x3FC8]  }
0x91: {  	s18 =	sld [smem:$0x3FD0];
	(tm) =	ssettm $0x1  }
0x92: {  	s4 =	sld [smem:$0x3FFB];
	_ =	sdelay $0x3  }
0x93: {  	_ =	strace s4  }
0x94: {  	s4 =	sld [smem:$0x3FFC];
	_ =	sdelay $0x3  }
0x95: {  	_ =	strace s4  }
0x96: {  	s4 =	sld [smem:$0x3FFD];
	_ =	sdelay $0x3  }
0x97: {  	_ =	strace s4  }
0x98: {  	_ =	strace $0x8FFFFFFF  }
0x99: {  	s19 =	sld [smem:$0x3FDB];
	_ =	sdelay $0x1  }
0x9a: {  	s5 =	simm.s32 $_scs_section_size  }
0x9b: {  	s6 =	simm.s32 $_size__tile_overlayer_lowered;
	s7 =	simm.s32 $_tile_overlayer_lowered  }
0x9c: {  	s22 =	simm.s32 $0x1BFF;
	s21 =	sshll.u32 s7, $0x1;
	s4 =	sadd.s32 s5, s19  }
0x9d: {  	s8 =	simm.s32 $0x0;
	s20 =	sshll.u32 s6, $0x1;
	s6 =	sadd.s32 s21, s4  }
0x9e: {  	[timem:s8], [sflag:s22] =	dma.local [hbm:s6], s20  }
0x9f: {  	_ =	swait.ge [sflag:s22], s20  }
0xa0: {  	s5 =	ssub.s32 $0x0, s20;
	[sflag:s22] =	ssyncset.done $0x0  }
0xa1: {  	[sflag:s22] =	ssyncadd.s32 s5;
	_ =	sdelay $0x1  }
0xa2: {  	s23 =	simm.s32 $0x1B8B  }
0xa3: {  	_ =	swait.ge [sflag:s23], $0x1  }
0xa4: {  	[sflag:s23] =	ssyncset.done $0x0  }
0xa5: {  	s25 =	simm.s32 $0x1B8E;
	s24 =	sld [smem:$0x3FFE];
	[sflag:s23] =	ssyncadd.s32 $0xFFFFFFFF  }
0xa6: {  	s26 =	simm.s32 $execute0_lowered;
	[smem:$0x3FD2] =	sst s25  }
0xa7: {  	s6 =	sshll.u32 s26, $0x1;
	_ =	strace $0x80000046;
	[dreg:$0x1] =	wrdreg $0xFFFFFFFF  }
0xa8: {  	s28 =	simm.s32 $_size_execute0_lowered;
	s4 =	sadd.s32 s4, s6;
	[dreg:$0x0] =	wrdreg $0x0  }
0xa9: {  	s6 =	sshll.u32 s28, $0x1;
	[dreg:$0x2] =	wrdreg s4  }
0xaa: {  	[dreg:$0x3] =	wrdreg s6  }
0xab: {  	[dreg:$0x4] =	wrdreg $0xC0  }
0xac: {  	_ =	task [dreg:s8], $0x5FFFF  }
0xad: {  	[dreg:$0x1] =	wrdreg $0xFFFFFFFF  }
0xae: {  	[dreg:$0x0] =	wrdreg $0x60  }
0xaf: {  	[dreg:$0x2] =	wrdreg s2  }
0xb0: {  	[dreg:$0x3] =	wrdreg s24  }
0xb1: {  	[dreg:$0x4] =	wrdreg s18  }
0xb2: {  	[dreg:$0x5] =	wrdreg $0x9  }
0xb3: {  	_ =	task.clear_ibuf [dreg:s8], $0x6FFFF;
	_ =	strace $0x90000046  }
0xb4: {  	s29 =	simm.s32 $0x9;
	_ =	strace $0x80000048  }
0xb5: {  	_ =	swait.ge [sflag:s29], $0x1  }
0xb6: {  	[sflag:s29] =	ssyncadd.s32 $0xFFFFFFFF  }
0xb7: {  	_ =	strace $0x90000048  }
0xb8: {  	_ =	sfence  }
0xb9: {  	s30 =	sld [smem:$0x0];
	_ =	sdelay $0x2  }
0xba: {  	s31 =	sshll.u32 s1, $0xD;
	s1 =	sshrl.u32 s1, $0x2  }
0xbb: {  	s3 =	sand.u32 $0x4000, s31;
	s1 =	sadd.s32 s1, s30  }
0xbc: {  	s0 =	sor.u32 s3, s0;
	s1 =	sshll.u32 s1, $0x11  }
0xbd: {  	s0 =	sor.u32 s1, s0  }
0xbe: {  	s0 =	sadd.s32 $0x8F2B, s0  }
0xbf: {  	[sflag:s0] =	ssyncadd.remote.s32 $0x1  }
0xc0: {  	_ =	sfence.sel $0xFFFF  }
0xc1: {  	[dreg:$0x0] =	wrdreg $0xFFFFFFFF;
	(pc) =	sbr.abs _section_cstart, $3  }
0xc2: {  	[dreg:$0x1] =	wrdreg $0xFFFFFFFF  }
0xc3: {  	_ =	task.clear_ibuf [dreg:s8], $0x2FFFF;
	_ =	strace $0x9FFFFFFF  }
0xc4: {  	(tm) =	ssettm $0x7FFFFFFF  }
0xc5: {  	_ =	shalt  }
tec
execute0_lowered:
.L_overlay_start_1:
0x0: {  	(tag) =	ssettag $0x1  }
0x1: {  	s1 =	rddreg [dreg:$0x0]  }
0x2: {  	s0 =	rddreg [dreg:$0x1];
	s2 =	srdreg.scid  }
0x3: {  	s9 =	stileid.u32;
	s6 =	rddreg [dreg:$0x2]  }
0x4: {  	s12 =	simm.s32 $0xB;
	s13 =	simm.s32 $0x80;
	s14 =	simm.s32 $0x6400  }
0x5: {  	s15 =	simm.s32 $0xA400;
	s17 =	simm.s32 $0xE400;
	s19 =	simm.s32 $0x12400  }
0x6: {  	s20 =	simm.s32 $0x1;
	s28 =	simm.s32 $0x4;
	s29 =	simm.s32 $0x8  }
0x7: {  	s30 =	simm.s32 $0x5;
	s2 =	sand.u32 $0x1, s2;
	s3 =	sshll.u32 s9, $0x1  }
0x8: {  	s31 =	simm.s32 $0x9;
	s23 =	sshll.u32 s9, $0xC;
	s5 =	sor.u32 s2, s3  }
0x9: {  	s3 =	simm.s32 $0x0;
	s7 =	ssub.s32 $0x2, s2;
	s24 =	sadd.s32 s23, s6  }
0xa: {  	s2 =	sshll.u32 s2, $0xB;
	s23 =	simm.s32 $0x2;
	s4 =	smul.u32 $0xC80, s5  }
0xb: {  	[smem:$0x7FF] =	sst s3;
	s8 =	sshrl.u32 s7, $0x1;
	s22 =	sshll.u32 s5, $0xB  }
0xc: {  	_ =	strace $0x80000047;
	s10 =	ssub.s32 s7, s8;
	s5 =	sadd.s32 s6, s22  }
0xd: {  	s22 =	simm.s32 $0x16400;
	s0 =	sadd.s32 s4, s0;
	s6 =	sadd.s32 $0x10000, s5  }
0xe: {  	s7 =	sadd.s32 $0xC50000, s5;
	s8 =	sadd.s32 $0xC60000, s5;
	s25 =	sadd.s32 $0x40000, s5  }
0xf: {  	s9 =	sadd.s32 $0xC70000, s5;
	s26 =	sadd.s32 $0x30000, s5;
	s10 =	smax.u32 s10, $0x1  }
0x10: {  	s11 =	sadd.s32 $0x20000, s5;
	s0 =	sadd.s32 $0x400, s0;
	[dreg:$0x5] =	wrdreg s25  }
0x11: {  	[dreg:$0x6] =	wrdreg s26;
	s25 =	simm.s32 $0x3;
	s26 =	simm.s32 $0x7  }
0x12: {  	[dreg:$0x7] =	wrdreg s0;
	s0 =	sadd.s32 s2, s24;
	s24 =	simm.s32 $0x6  }
0x13: {  	s2 =	simm.s32 $0xA;
	[dreg:$0x4] =	wrdreg s0;
	s0 =	simm.s32 $0x0  }
.LBB2_1:
0x14: {  	s4 =	rddreg [dreg:$0x7]  }
0x15: {  	[tilespmem:s3], [sflag:$0xB] =	stream.linear.gather [hbm4b:s4+s3], $0x6400, $0x38;
	[tilespmem:$0x1A400] =	vst v63  }
0x16: {  	_ =	swait.ge [sflag:s12], $0x6400  }
0x17: {  	[sflag:s12] =	ssyncset.done $0x0  }
0x18: {  	[sflag:s12] =	ssyncadd.s32 $0xFFFF9C00  }
0x19: {  	[tilespmem:s14], [sflag:$0x1] =	stream.indirect.gather [hbm4b:s1+s13], $0x80, s3, s13, $0xb8;
	[tilespmem:$0x1A400] =	vst v63  }
0x1a: {  	_ = 	snop  }
0x1b: {  	[tilespmem:s15], [sflag:$0x2] =	stream.indirect.gather [hbm4b:s1+s13], $0x80, s13, s13, $0xb8;
	[tilespmem:$0x1A400] =	vst v63  }
0x1c: {  	s18 =	simm.s32 $0x100  }
0x1d: {  	[tilespmem:s17], [sflag:$0x3] =	stream.indirect.gather [hbm4b:s1+s13], $0x80, s18, s13, $0xb8;
	[tilespmem:$0x1A400] =	vst v63  }
0x1e: {  	s21 =	simm.s32 $0x180  }
0x1f: {  	[tilespmem:s19], [sflag:$0x4] =	stream.indirect.gather [hbm4b:s1+s13], $0x80, s21, s13, $0xb8;
	[tilespmem:$0x1A400] =	vst v63  }
0x20: {  	_ =	swait.ge [sflag:s20], $0x4000  }
0x21: {  	[sflag:s20] =	ssyncset.done $0x0  }
0x22: {  	[sflag:s20] =	ssyncadd.s32 $0xFFFFC000  }
0x23: {  	[hbm4b:s5+s3] =	stream.linear.scatter [tilespmem:s14], [sflag:$0x6], $0x4000, $0x38;
	[tilespmem:$0x1A400] =	vst v63  }
0x24: {  	s16 =	simm.s32 $0x200  }
0x25: {  	[tilespmem:s22], [sflag:$0x5] =	stream.indirect.gather [hbm4b:s1+s13], $0x80, s16, s13, $0xb8;
	[tilespmem:$0x1A400] =	vst v63  }
0x26: {  	_ =	swait.ge [sflag:s23], $0x4000  }
0x27: {  	[sflag:s23] =	ssyncset.done $0x0  }
0x28: {  	[sflag:s23] =	ssyncadd.s32 $0xFFFFC000  }
0x29: {  	[hbm4b:s6+s3] =	stream.linear.scatter [tilespmem:s15], [sflag:$0x7], $0x4000, $0x38;
	[tilespmem:$0x1A400] =	vst v63  }
0x2a: {  	_ =	swait.ge [sflag:s24], $0x4000  }
0x2b: {  	[sflag:s24] =	ssyncset.done $0x0  }
0x2c: {  	s16 =	simm.s32 $0x280;
	[sflag:s24] =	ssyncadd.s32 $0xFFFFC000  }
0x2d: {  	[tilespmem:s14], [sflag:$0x1] =	stream.indirect.gather [hbm4b:s1+s13], $0x80, s16, s13, $0xb8;
	[tilespmem:$0x1A400] =	vst v63  }
0x2e: {  	_ =	swait.ge [sflag:s25], $0x4000  }
0x2f: {  	[sflag:s25] =	ssyncset.done $0x0  }
0x30: {  	s18 =	sadd.s32 $0x0, s11;
	[sflag:s25] =	ssyncadd.s32 $0xFFFFC000  }
0x31: {  	[hbm4b:s18+s3] =	stream.linear.scatter [tilespmem:s17], [sflag:$0x8], $0x4000, $0x38;
	[tilespmem:$0x1A400] =	vst v63  }
0x32: {  	_ =	swait.ge [sflag:s26], $0x4000  }
0x33: {  	[sflag:s26] =	ssyncset.done $0x0  }
0x34: {  	s21 =	simm.s32 $0x300;
	[sflag:s26] =	ssyncadd.s32 $0xFFFFC000  }
0x35: {  	[tilespmem:s15], [sflag:$0x2] =	stream.indirect.gather [hbm4b:s1+s13], $0x80, s21, s13, $0xb8;
	[tilespmem:$0x1A400] =	vst v63  }
0x36: {  	_ =	swait.ge [sflag:s28], $0x4000  }
0x37: {  	s4 =	rddreg [dreg:$0x6];
	[sflag:s28] =	ssyncset.done $0x0  }
0x38: {  	[sflag:s28] =	ssyncadd.s32 $0xFFFFC000;
	s16 =	sadd.s32 $0x0, s4  }
0x39: {  	[hbm4b:s16+s3] =	stream.linear.scatter [tilespmem:s19], [sflag:$0x9], $0x4000, $0x38;
	[tilespmem:$0x1A400] =	vst v63  }
0x3a: {  	_ =	swait.ge [sflag:s29], $0x4000  }
0x3b: {  	[sflag:s29] =	ssyncset.done $0x0  }
0x3c: {  	s18 =	simm.s32 $0x380;
	[sflag:s29] =	ssyncadd.s32 $0xFFFFC000  }
0x3d: {  	[tilespmem:s17], [sflag:$0x3] =	stream.indirect.gather [hbm4b:s1+s13], $0x80, s18, s13, $0xb8;
	[tilespmem:$0x1A400] =	vst v63  }
0x3e: {  	_ =	swait.ge [sflag:s30], $0x4000  }
0x3f: {  	s21 =	rddreg [dreg:$0x5];
	[sflag:s30] =	ssyncset.done $0x0  }
0x40: {  	[sflag:s30] =	ssyncadd.s32 $0xFFFFC000;
	s16 =	sadd.s32 $0x0, s21  }
0x41: {  	[hbm4b:s16+s3] =	stream.linear.scatter [tilespmem:s22], [sflag:$0xA], $0x4000, $0x38;
	[tilespmem:$0x1A400] =	vst v63  }
0x42: {  	_ =	swait.ge [sflag:s31], $0x4000  }
0x43: {  	[sflag:s31] =	ssyncset.done $0x0  }
0x44: {  	s4 =	simm.s32 $0x400;
	[sflag:s31] =	ssyncadd.s32 $0xFFFFC000  }
0x45: {  	[tilespmem:s19], [sflag:$0x4] =	stream.indirect.gather [hbm4b:s1+s13], $0x80, s4, s13, $0xb8;
	[tilespmem:$0x1A400] =	vst v63  }
0x46: {  	_ =	swait.ge [sflag:s20], $0x4000  }
0x47: {  	s18 =	rddreg [dreg:$0x4]  }
0x48: {  	[sflag:s20] =	ssyncset.done $0x0;
	s18 =	sadd.s32 $0x0, s18  }
0x49: {  	[sflag:s20] =	ssyncadd.s32 $0xFFFFC000;
	s16 =	sadd.s32 $0x50000, s18  }
0x4a: {  	[hbm4b:s16+s3] =	stream.linear.scatter [tilespmem:s14], [sflag:$0x6], $0x4000, $0x38;
	[tilespmem:$0x1A400] =	vst v63  }
0x4b: {  	_ =	swait.ge [sflag:s2], $0x4000  }
0x4c: {  	[sflag:s2] =	ssyncset.done $0x0  }
0x4d: {  	s21 =	simm.s32 $0x480;
	[sflag:s2] =	ssyncadd.s32 $0xFFFFC000  }
0x4e: {  	[tilespmem:s22], [sflag:$0x5] =	stream.indirect.gather [hbm4b:s1+s13], $0x80, s21, s13, $0xb8;
	[tilespmem:$0x1A400] =	vst v63  }
0x4f: {  	_ =	swait.ge [sflag:s23], $0x4000  }
0x50: {  	s16 =	simm.s32 $0x50000;
	[sflag:s23] =	ssyncset.done $0x0  }
0x51: {  	s21 =	sadd.s32 $0x60000, s18;
	s18 =	simm.s32 $0x700;
	[sflag:s23] =	ssyncadd.s32 $0xFFFFC000  }
.LBB2_2:
0x52: {  	[hbm4b:s21+s3] =	stream.linear.scatter [tilespmem:s15], [sflag:$0x7], $0x4000, $0x38;
	[tilespmem:$0x1A400] =	vst v63  }
0x53: {  	_ =	swait.ge [sflag:s24], $0x4000  }
0x54: {  	[sflag:s24] =	ssyncset.done $0x0  }
0x55: {  	s4 =	sadd.s32 $0xFFFFFE00, s18;
	[sflag:s24] =	ssyncadd.s32 $0xFFFFC000  }
0x56: {  	[tilespmem:s14], [sflag:$0x1] =	stream.indirect.gather [hbm4b:s1+s13], $0x80, s4, s13, $0xb8;
	[tilespmem:$0x1A400] =	vst v63  }
0x57: {  	_ =	swait.ge [sflag:s25], $0x4000  }
0x58: {  	s21 =	smov.u32 s16;
	[sflag:s25] =	ssyncset.done $0x0  }
0x59: {  	s4 =	sadd.s32 s21, s11;
	[sflag:s25] =	ssyncadd.s32 $0xFFFFC000  }
0x5a: {  	[hbm4b:s4+s3] =	stream.linear.scatter [tilespmem:s17], [sflag:$0x8], $0x4000, $0x38;
	[tilespmem:$0x1A400] =	vst v63  }
0x5b: {  	_ =	swait.ge [sflag:s26], $0x4000  }
0x5c: {  	[sflag:s26] =	ssyncset.done $0x0  }
0x5d: {  	s4 =	sadd.s32 $0xFFFFFE80, s18;
	[sflag:s26] =	ssyncadd.s32 $0xFFFFC000  }
0x5e: {  	[tilespmem:s15], [sflag:$0x2] =	stream.indirect.gather [hbm4b:s1+s13], $0x80, s4, s13, $0xb8;
	[tilespmem:$0x1A400] =	vst v63  }
0x5f: {  	_ =	swait.ge [sflag:s28], $0x4000  }
0x60: {  	s4 =	rddreg [dreg:$0x6];
	[sflag:s28] =	ssyncset.done $0x0  }
0x61: {  	[sflag:s28] =	ssyncadd.s32 $0xFFFFC000;
	s4 =	sadd.s32 s21, s4  }
0x62: {  	[hbm4b:s4+s3] =	stream.linear.scatter [tilespmem:s19], [sflag:$0x9], $0x4000, $0x38;
	[tilespmem:$0x1A400] =	vst v63  }
0x63: {  	_ =	swait.ge [sflag:s29], $0x4000  }
0x64: {  	[sflag:s29] =	ssyncset.done $0x0  }
0x65: {  	s4 =	sadd.s32 $0xFFFFFF00, s18;
	[sflag:s29] =	ssyncadd.s32 $0xFFFFC000  }
0x66: {  	[tilespmem:s17], [sflag:$0x3] =	stream.indirect.gather [hbm4b:s1+s13], $0x80, s4, s13, $0xb8;
	[tilespmem:$0x1A400] =	vst v63  }
0x67: {  	_ =	swait.ge [sflag:s30], $0x4000  }
0x68: {  	s4 =	rddreg [dreg:$0x5];
	[sflag:s30] =	ssyncset.done $0x0  }
0x69: {  	[sflag:s30] =	ssyncadd.s32 $0xFFFFC000;
	s4 =	sadd.s32 s21, s4  }
0x6a: {  	[hbm4b:s4+s3] =	stream.linear.scatter [tilespmem:s22], [sflag:$0xA], $0x4000, $0x38;
	[tilespmem:$0x1A400] =	vst v63  }
0x6b: {  	_ =	swait.ge [sflag:s31], $0x4000  }
0x6c: {  	[sflag:s31] =	ssyncset.done $0x0  }
0x6d: {  	s4 =	sadd.s32 $0xFFFFFF80, s18;
	[sflag:s31] =	ssyncadd.s32 $0xFFFFC000  }
0x6e: {  	[tilespmem:s19], [sflag:$0x4] =	stream.indirect.gather [hbm4b:s1+s13], $0x80, s4, s13, $0xb8;
	[tilespmem:$0x1A400] =	vst v63  }
0x6f: {  	_ =	swait.ge [sflag:s20], $0x4000  }
0x70: {  	s4 =	rddreg [dreg:$0x4]  }
0x71: {  	[sflag:s20] =	ssyncset.done $0x0;
	s4 =	sadd.s32 s21, s4  }
0x72: {  	[sflag:s20] =	ssyncadd.s32 $0xFFFFC000;
	s21 =	sadd.s32 $0x50000, s4  }
0x73: {  	[hbm4b:s21+s3] =	stream.linear.scatter [tilespmem:s14], [sflag:$0x6], $0x4000, $0x38;
	[tilespmem:$0x1A400] =	vst v63  }
0x74: {  	_ =	swait.ge [sflag:s2], $0x4000  }
0x75: {  	p0 =	sne.s32 s16, $0xBE0000;
	[sflag:s2] =	ssyncset.done $0x0  }
.Ltmp0:
0x76: {  	[sflag:s2] =	ssyncadd.s32 $0xFFFFC000;
	(pc) =	sbr.rel @p0 .LBB2_2-.Ltmp0, $4  }
0x77: {  	[tilespmem:s22], [sflag:$0x5] =	stream.indirect.gather [hbm4b:s1+s13], $0x80, s18, s13, $0xb8;
	[tilespmem:$0x1A400] =	vst v63  }
0x78: {  	_ =	swait.ge [sflag:s23], $0x4000  }
0x79: {  	s16 =	sadd.s32 $0x50000, s16;
	[sflag:s23] =	ssyncset.done $0x0  }
0x7a: {  	s21 =	sadd.s32 $0x60000, s4;
	s18 =	sadd.s32 $0x280, s18;
	[sflag:s23] =	ssyncadd.s32 $0xFFFFC000  }
0x7b: {  	[hbm4b:s21+s3] =	stream.linear.scatter [tilespmem:s15], [sflag:$0x7], $0x4000, $0x38;
	[tilespmem:$0x1A400] =	vst v63  }
0x7c: {  	_ =	swait.ge [sflag:s25], $0x4000  }
0x7d: {  	[sflag:s25] =	ssyncset.done $0x0  }
0x7e: {  	[sflag:s25] =	ssyncadd.s32 $0xFFFFC000  }
0x7f: {  	[hbm4b:s7+s3] =	stream.linear.scatter [tilespmem:s17], [sflag:$0x8], $0x4000, $0x38;
	[tilespmem:$0x1A400] =	vst v63  }
0x80: {  	_ =	swait.ge [sflag:s28], $0x4000  }
0x81: {  	[sflag:s28] =	ssyncset.done $0x0  }
0x82: {  	[sflag:s28] =	ssyncadd.s32 $0xFFFFC000  }
0x83: {  	[hbm4b:s8+s3] =	stream.linear.scatter [tilespmem:s19], [sflag:$0x9], $0x4000, $0x38;
	[tilespmem:$0x1A400] =	vst v63  }
0x84: {  	_ =	swait.ge [sflag:s30], $0x4000  }
0x85: {  	[sflag:s30] =	ssyncset.done $0x0  }
0x86: {  	[sflag:s30] =	ssyncadd.s32 $0xFFFFC000  }
0x87: {  	[hbm4b:s9+s3] =	stream.linear.scatter [tilespmem:s22], [sflag:$0xA], $0x4000, $0x38;
	[tilespmem:$0x1A400] =	vst v63  }
0x88: {  	_ =	swait.ge [sflag:s24], $0x4000  }
0x89: {  	[sflag:s24] =	ssyncset.done $0x0  }
0x8a: {  	[sflag:s24] =	ssyncadd.s32 $0xFFFFC000  }
0x8b: {  	_ =	swait.ge [sflag:s26], $0x4000  }
0x8c: {  	[sflag:s26] =	ssyncset.done $0x0  }
0x8d: {  	[sflag:s26] =	ssyncadd.s32 $0xFFFFC000  }
0x8e: {  	_ =	swait.ge [sflag:s29], $0x4000  }
0x8f: {  	[sflag:s29] =	ssyncset.done $0x0  }
0x90: {  	s0 =	sadd.s32 $0x1, s0;
	[sflag:s29] =	ssyncadd.s32 $0xFFFFC000  }
0x91: {  	p0 =	sne.s32 s0, s10;
	_ =	swait.ge [sflag:s31], $0x4000  }
.Ltmp1:
0x92: {  	[sflag:s31] =	ssyncset.done $0x0;
	(pc) =	sbr.rel @p0 .LBB2_1-.Ltmp1, $4  }
0x93: {  	[sflag:s31] =	ssyncadd.s32 $0xFFFFC000  }
0x94: {  	_ =	swait.ge [sflag:s2], $0x4000  }
0x95: {  	[sflag:s2] =	ssyncset.done $0x0  }
0x96: {  	[sflag:s2] =	ssyncadd.s32 $0xFFFFC000  }
0x97: {  	_ =	sfence.sel $0x180000  }
0x98: {  	[bflag:$0x0] =	sbarrier.arrive $0xFFFF  }
0x99: {  	_ =	strace $0x90000047  }
0x9a: {  	s0 =	stileid.u32;
	[bflag:$0x2] =	sbarrier.arrive $0xFFFF  }
0x9b: {  	p0 =	sne.s32 s0, $0x0;
	s0 =	rddreg [dreg:$0x3]  }
0x9c: {  	s0 =	sadd.s32 @!p0 $0x100000, s0  }
0x9d: {  	[sflag:s0] =	ssyncadd.tile.s32 @!p0 $0x1;
	_ =	shalt  }
.Lfunc_end2:
_tile_overlayer_lowered:
.L_overlay_start_2:
0x9e: {  	(tag) =	ssettag $0x2  }
0x9f: {  	s0 =	rddreg [dreg:$0x0];
	s2 =	stileid.u32  }
0xa0: {  	s1 =	rddreg [dreg:$0x1];
	p0 =	sne.s32 s2, $0x0  }
0xa1: {  	s3 =	rddreg [dreg:$0x2];
	[bflag:$0x3] =	sbarrier.arrive $0xFFFF;
	s2 =	simm.s32 @!p0 $0x1C0B  }
0xa2: {  	[timem:s3], [sflag:s2] =	dma.local @!p0 [hbm:s0], s1  }
0xa3: {  	s0 =	simm.s32 @!p0 $0xB  }
0xa4: {  	_ =	swait.ge @!p0 [sflag:s0], s1  }
0xa5: {  	s1 =	ssub.s32 @!p0 $0x0, s1;
	[sflag:s0] =	ssyncset.done @!p0 $0x0  }
0xa6: {  	[sflag:s0] =	ssyncadd.s32 @!p0 s1  }
0xa7: {  	[bflag:$0x3] =	sbarrier.arrive $0xFFFF  }
0xa8: {  	_ =	shalt  }

</sc_bundles>
